<compile_context>
chip_gen: v7x
topology: tpu7x:2x2x1
jax: 0.10.2.dev20260603
libtpu: 0.0.44.dev20260713+nightly
codegen_flags: <defaults>
</compile_context>

<pallas_src>
import functools

import jax
import jax.numpy as jnp
import numpy as np
from jax import lax
from jax.experimental import pallas as pl
from jax.experimental.pallas import tpu as pltpu
from jax.experimental.pallas import tpu_sc as plsc

_N = 6400000
_LANES = 128
_ROWS = _N // _LANES
_BLOCK_ROWS = 2000
_GRID = _ROWS // _BLOCK_ROWS

_KEEP_PROB = 0.9
_INV_KEEP = np.float32(1.0 / _KEEP_PROB)

_KD0 = 2247515013
_KD1 = 2545468385
_K0 = np.int32(np.uint32(_KD0))
_K1 = np.int32(np.uint32(_KD1))
_K2 = np.int32(np.uint32((_KD0 ^ _KD1 ^ 0x1BD11BDA) & 0xFFFFFFFF))
_KS = (_K0, _K1, _K2)
_ROTS = ((13, 15, 26, 6), (17, 29, 16, 24))
_THRESH = np.uint32(838861 << 9)


def _rotl(x, r):
    return lax.shift_left(x, np.int32(r)) | lax.shift_right_logical(
        x, np.int32(32 - r))


def _cipher_bits(x1):
    x0 = _K0
    for i in range(5):
        for r in _ROTS[i % 2]:
            x0 = x0 + x1
            x1 = _rotl(x1, r) ^ x0
        x0 = x0 + _KS[(i + 1) % 3]
        x1 = x1 + _KS[(i + 2) % 3] + np.int32(i + 1)
    return x0 ^ x1


def _dropout_block(v_ref, o_ref):
    pid = pl.program_id(0)
    rowcol = (lax.broadcasted_iota(jnp.int32, (_BLOCK_ROWS, _LANES), 0)
              * np.int32(_LANES)
              + lax.broadcasted_iota(jnp.int32, (_BLOCK_ROWS, _LANES), 1))
    base_k1 = pid * np.int32(_BLOCK_ROWS * _LANES) + _K1
    bits = _cipher_bits(rowcol + base_k1)
    keep = lax.bitcast_convert_type(bits, jnp.uint32) >= _THRESH
    o_ref[...] = jnp.where(keep, v_ref[...] * _INV_KEEP, np.float32(0.0))


_SC_NW = 25
_SC_W_COLS = _N // _SC_NW
_SC_CH = 32000
_SC_NCH = _SC_W_COLS // _SC_CH


def _sc_copy_body(idx_hbm, out_hbm, buf, isems, osems):
    c = lax.axis_index("c")
    s = lax.axis_index("s")
    w = s * 2 + c

    @pl.when(w < _SC_NW)
    def _():
        col0 = w * _SC_W_COLS

        def cin(i):
            return pltpu.make_async_copy(
                idx_hbm.at[:, pl.ds(col0 + i * _SC_CH, _SC_CH)],
                buf.at[i % 2], isems.at[i % 2])

        def cout(i):
            return pltpu.make_async_copy(
                buf.at[i % 2],
                out_hbm.at[:, pl.ds(col0 + i * _SC_CH, _SC_CH)],
                osems.at[i % 2])

        cin(0).start()

        def step(i, carry):
            cin(i).wait()
            cout(i).start()

            @pl.when(i >= 1)
            def _():
                cout(i - 1).wait()

            @pl.when(i + 1 < _SC_NCH)
            def _():
                cin(i + 1).start()

            return carry

        lax.fori_loop(0, _SC_NCH, step, 0)
        cout(_SC_NCH - 1).wait()


def kernel(indices, values):
    sc_copy = functools.partial(
        pl.kernel,
        out_type=jax.ShapeDtypeStruct(indices.shape, indices.dtype),
        mesh=plsc.VectorSubcoreMesh(core_axis_name="c", subcore_axis_name="s"),
        scratch_types=[
            pltpu.VMEM((2, 2, _SC_CH), indices.dtype),
            pltpu.SemaphoreType.DMA((2,)),
            pltpu.SemaphoreType.DMA((2,)),
        ],
    )(_sc_copy_body)
    idx_out = sc_copy(indices)

    v2d = values.reshape(_ROWS, _LANES)
    out = pl.pallas_call(
        _dropout_block,
        grid=(_GRID,),
        in_specs=[pl.BlockSpec((_BLOCK_ROWS, _LANES), lambda i: (i, 0))],
        out_specs=pl.BlockSpec((_BLOCK_ROWS, _LANES), lambda i: (i, 0)),
        out_shape=jax.ShapeDtypeStruct((_ROWS, _LANES), jnp.float32),
    )(v2d)
    return idx_out, out.reshape(_N)

# --- scband reference (transcript-rebuilt; emitter-appended) ---
"""Pipeline reference for scband-edge-dropout-6012954214932 (READ-ONLY COPY).

The authoritative reference and input builder live on the scoring server;
editing this copy changes nothing except your own understanding.
"""

import jax, jax.numpy as jnp
import numpy as np

N_NODES = 100000
N_EDGES = 6400000
KEEP_PROB = 0.9

def setup_inputs(seed: int = 0) -> dict:
    key = jax.random.key(seed)
    k1, k2 = jax.random.split(key)
    indices = jax.random.randint(k1, (2, N_EDGES), 0, N_NODES)
    values = jax.random.uniform(k2, (N_EDGES,), dtype=jnp.float32)
    return {"indices": indices, "values": values}

def reference(indices, values):
    # EdgeDropout on a sparse COO tensor (training mode):
    # random_tensor = rand(nnz) + keep_prob; mask = floor(random_tensor).bool()
    # kept values are rescaled by 1/keep_prob. Dropped edges are zeroed
    # (mask-multiply), which is mathematically equivalent to removing them
    # from the sparse COO structure while keeping static shapes.
    dropout_key = jax.random.fold_in(jax.random.key(0), 123)
    random_tensor = jax.random.uniform(dropout_key, (values.shape[0],), dtype=jnp.float32) + KEEP_PROB
    mask = jnp.floor(random_tensor).astype(values.dtype)
    new_values = values * mask * (1.0 / KEEP_PROB)
    return indices, new_values

if __name__ == "__main__":
    import jax
    _d = setup_inputs()
    print(jax.jit(kernel)(*tuple(_d.values())))

</pallas_src>

<mosaic_0001>
#map = affine_map<(d0, d1) -> (0, 0)>
module attributes {stable_mosaic.version = 14 : i64} {
  func.func @_sc_copy_body(%arg0: i32, %arg1: i32, %arg2: memref<2x6400000xi32, #tpu.memory_space<hbm>>, %arg3: memref<2x6400000xi32, #tpu.memory_space<hbm>>, %arg4: memref<2x2x32000xi32, #tpu.memory_space<vmem>>, %arg5: memref<2x!tpu.dma_semaphore, #tpu.memory_space<semaphore_mem>>, %arg6: memref<2x!tpu.dma_semaphore, #tpu.memory_space<semaphore_mem>>) attributes {dimension_semantics = [#tpu.dimension_semantics<core_parallel>, #tpu.dimension_semantics<subcore_parallel>], iteration_bounds = array<i64: 2, 16>, scalar_prefetch = 0 : i64, scratch_operands = 3 : i64, tpu.core_type = #tpu.core_type<sc_vector_subcore>, window_params = [{transform_indices = #map}, {transform_indices = #map}]} {
    %mul3A = arith.constant 2 : i32
    %mul3A_0 = arith.muli %arg1, %mul3A : i32
    %add3A = arith.addi %mul3A_0, %arg0 : i32
    %lt3A = arith.constant 25 : i32
    %lt3A_1 = arith.cmpi slt, %add3A, %lt3A : i32
    %convert_element_type3A = arith.extui %lt3A_1 : i1 to i32
    %cond3A = arith.constant 0 : i32
    %cond3A_2 = arith.cmpi ne, %convert_element_type3A, %cond3A : i32
    scf.if %cond3A_2 {
      %mul3A_3 = arith.constant 256000 : i32
      %mul3A_4 = arith.muli %add3A, %mul3A_3 : i32
      %add3A_5 = arith.constant 0 : i32
      %add3A_6 = arith.addi %mul3A_4, %add3A_5 : i32
      %dma_start3A = arith.constant 0 : i32
      %dma_start3A_7 = arith.constant 0 : i32
      %dma_start3A_8 = arith.constant 0 : i32
      %dma_start3A_9 = arith.constant 0 : i32
      %dma_start3A_10 = tpu.memref_slice %arg4[%dma_start3A, %dma_start3A_8, %dma_start3A_9] : memref<2x2x32000xi32, #tpu.memory_space<vmem>> -> memref<1x2x32000xi32, #tpu.memory_space<vmem>>
      %dma_start3A_11 = tpu.memref_squeeze %dma_start3A_10 : memref<1x2x32000xi32, #tpu.memory_space<vmem>> -> memref<2x32000xi32, #tpu.memory_space<vmem>>
      %dma_start3A_12 = arith.constant 0 : i32
      %dma_start3A_13 = tpu.memref_slice %arg2[%dma_start3A_12, %add3A_6] : memref<2x6400000xi32, #tpu.memory_space<hbm>> -> memref<2x32000xi32, #tpu.memory_space<hbm>>
      %dma_start3A_14 = tpu.memref_slice %arg5[%dma_start3A_7] : memref<2x!tpu.dma_semaphore, #tpu.memory_space<semaphore_mem>> -> memref<1x!tpu.dma_semaphore, #tpu.memory_space<semaphore_mem>>
      %dma_start3A_15 = tpu.memref_squeeze %dma_start3A_14 : memref<1x!tpu.dma_semaphore, #tpu.memory_space<semaphore_mem>> -> memref<!tpu.dma_semaphore, #tpu.memory_space<semaphore_mem>>
      %dma_start3A_16 = arith.constant 0 : i32
      %dma_start3A_17 = arith.constant 0 : i32
      %dma_start3A_18 = tpu.memref_slice %arg4[%dma_start3A, %dma_start3A_16, %dma_start3A_17] : memref<2x2x32000xi32, #tpu.memory_space<vmem>> -> memref<1x2x32000xi32, #tpu.memory_space<vmem>>
      %dma_start3A_19 = tpu.memref_squeeze %dma_start3A_18 : memref<1x2x32000xi32, #tpu.memory_space<vmem>> -> memref<2x32000xi32, #tpu.memory_space<vmem>>
      %dma_start3A_20 = arith.constant 0 : i32
      %dma_start3A_21 = tpu.memref_slice %arg2[%dma_start3A_20, %add3A_6] : memref<2x6400000xi32, #tpu.memory_space<hbm>> -> memref<2x32000xi32, #tpu.memory_space<hbm>>
      tpu.enqueue_dma source(%dma_start3A_21 : memref<2x32000xi32, #tpu.memory_space<hbm>>) target(%dma_start3A_19 : memref<2x32000xi32, #tpu.memory_space<vmem>>) target_semaphore(%dma_start3A_15 : memref<!tpu.dma_semaphore, #tpu.memory_space<semaphore_mem>>)
      %scan3A = arith.constant 0 : i32
      %scan3A_22 = arith.constant 0 : i32
      %scan3A_23 = arith.constant 8 : i32
      %scan3A_24 = arith.addi %scan3A_22, %scan3A_23 : i32
      %scan3A_25 = arith.constant 1 : i32
      scf.for %scan3A_44 = %scan3A_22 to %scan3A_24 step %scan3A_25  : i32 {
        %mul3A_45 = arith.constant 32000 : i32
        %mul3A_46 = arith.muli %scan3A_44, %mul3A_45 : i32
        %add3A_47 = arith.addi %mul3A_4, %mul3A_46 : i32
        %jit3A = arith.constant 2 : i32
        %eq3A = arith.constant 0 : i32
        %eq3A_48 = arith.cmpi eq, %jit3A, %eq3A : i32
        %jit3A_49 = arith.constant 1 : i32
        %select_n3A = arith.select %eq3A_48, %jit3A_49, %jit3A : i32
        %rem3A = arith.remsi %scan3A_44, %select_n3A : i32
        %ne3A = arith.constant 0 : i32
        %ne3A_50 = arith.cmpi ne, %rem3A, %ne3A : i32
        %lt3A_51 = arith.constant 0 : i32
        %lt3A_52 = arith.cmpi slt, %rem3A, %lt3A_51 : i32
        %lt3A_53 = arith.constant 0 : i32
        %lt3A_54 = arith.cmpi slt, %select_n3A, %lt3A_53 : i32
        %ne3A_55 = arith.xori %lt3A_52, %lt3A_54 : i1
        %and3A = arith.andi %ne3A_55, %ne3A_50 : i1
        %add3A_56 = arith.addi %rem3A, %select_n3A : i32
        %select_n3A_57 = arith.select %and3A, %add3A_56, %rem3A : i32
        %jit3A_58 = arith.constant 2 : i32
        %eq3A_59 = arith.constant 0 : i32
        %eq3A_60 = arith.cmpi eq, %jit3A_58, %eq3A_59 : i32
        %jit3A_61 = arith.constant 1 : i32
        %select_n3A_62 = arith.select %eq3A_60, %jit3A_61, %jit3A_58 : i32
        %rem3A_63 = arith.remsi %scan3A_44, %select_n3A_62 : i32
        %ne3A_64 = arith.constant 0 : i32
        %ne3A_65 = arith.cmpi ne, %rem3A_63, %ne3A_64 : i32
        %lt3A_66 = arith.constant 0 : i32
        %lt3A_67 = arith.cmpi slt, %rem3A_63, %lt3A_66 : i32
        %lt3A_68 = arith.constant 0 : i32
        %lt3A_69 = arith.cmpi slt, %select_n3A_62, %lt3A_68 : i32
        %ne3A_70 = arith.xori %lt3A_67, %lt3A_69 : i1
        %and3A_71 = arith.andi %ne3A_70, %ne3A_65 : i1
        %add3A_72 = arith.addi %rem3A_63, %select_n3A_62 : i32
        %select_n3A_73 = arith.select %and3A_71, %add3A_72, %rem3A_63 : i32
        %dma_wait3A_74 = arith.constant 0 : i32
        %dma_wait3A_75 = arith.constant 0 : i32
        %dma_wait3A_76 = tpu.memref_slice %arg4[%select_n3A_57, %dma_wait3A_74, %dma_wait3A_75] : memref<2x2x32000xi32, #tpu.memory_space<vmem>> -> memref<1x2x32000xi32, #tpu.memory_space<vmem>>
        %dma_wait3A_77 = tpu.memref_squeeze %dma_wait3A_76 : memref<1x2x32000xi32, #tpu.memory_space<vmem>> -> memref<2x32000xi32, #tpu.memory_space<vmem>>
        %dma_wait3A_78 = arith.constant 0 : i32
        %dma_wait3A_79 = tpu.memref_slice %arg2[%dma_wait3A_78, %add3A_47] : memref<2x6400000xi32, #tpu.memory_space<hbm>> -> memref<2x32000xi32, #tpu.memory_space<hbm>>
        %dma_wait3A_80 = tpu.memref_slice %arg5[%select_n3A_73] : memref<2x!tpu.dma_semaphore, #tpu.memory_space<semaphore_mem>> -> memref<1x!tpu.dma_semaphore, #tpu.memory_space<semaphore_mem>>
        %dma_wait3A_81 = tpu.memref_squeeze %dma_wait3A_80 : memref<1x!tpu.dma_semaphore, #tpu.memory_space<semaphore_mem>> -> memref<!tpu.dma_semaphore, #tpu.memory_space<semaphore_mem>>
        %dma_wait3A_82 = arith.constant 0 : i32
        %dma_wait3A_83 = arith.constant 0 : i32
        %dma_wait3A_84 = tpu.memref_slice %arg4[%select_n3A_57, %dma_wait3A_82, %dma_wait3A_83] : memref<2x2x32000xi32, #tpu.memory_space<vmem>> -> memref<1x2x32000xi32, #tpu.memory_space<vmem>>
        %dma_wait3A_85 = tpu.memref_squeeze %dma_wait3A_84 : memref<1x2x32000xi32, #tpu.memory_space<vmem>> -> memref<2x32000xi32, #tpu.memory_space<vmem>>
        %dma_wait3A_86 = arith.constant 0 : i32
        %dma_wait3A_87 = tpu.memref_slice %arg2[%dma_wait3A_86, %add3A_47] : memref<2x6400000xi32, #tpu.memory_space<hbm>> -> memref<2x32000xi32, #tpu.memory_space<hbm>>
        tpu.wait_dma2 semaphore(%dma_wait3A_81 : memref<!tpu.dma_semaphore, #tpu.memory_space<semaphore_mem>>) src(%dma_wait3A_87 : memref<2x32000xi32, #tpu.memory_space<hbm>>) dst(%dma_wait3A_85 : memref<2x32000xi32, #tpu.memory_space<vmem>>)
        %jit3A_88 = arith.constant 2 : i32
        %eq3A_89 = arith.constant 0 : i32
        %eq3A_90 = arith.cmpi eq, %jit3A_88, %eq3A_89 : i32
        %jit3A_91 = arith.constant 1 : i32
        %select_n3A_92 = arith.select %eq3A_90, %jit3A_91, %jit3A_88 : i32
        %rem3A_93 = arith.remsi %scan3A_44, %select_n3A_92 : i32
        %ne3A_94 = arith.constant 0 : i32
        %ne3A_95 = arith.cmpi ne, %rem3A_93, %ne3A_94 : i32
        %lt3A_96 = arith.constant 0 : i32
        %lt3A_97 = arith.cmpi slt, %rem3A_93, %lt3A_96 : i32
        %lt3A_98 = arith.constant 0 : i32
        %lt3A_99 = arith.cmpi slt, %select_n3A_92, %lt3A_98 : i32
        %ne3A_100 = arith.xori %lt3A_97, %lt3A_99 : i1
        %and3A_101 = arith.andi %ne3A_100, %ne3A_95 : i1
        %add3A_102 = arith.addi %rem3A_93, %select_n3A_92 : i32
        %select_n3A_103 = arith.select %and3A_101, %add3A_102, %rem3A_93 : i32
        %mul3A_104 = arith.constant 32000 : i32
        %mul3A_105 = arith.muli %scan3A_44, %mul3A_104 : i32
        %add3A_106 = arith.addi %mul3A_4, %mul3A_105 : i32
        %jit3A_107 = arith.constant 2 : i32
        %eq3A_108 = arith.constant 0 : i32
        %eq3A_109 = arith.cmpi eq, %jit3A_107, %eq3A_108 : i32
        %jit3A_110 = arith.constant 1 : i32
        %select_n3A_111 = arith.select %eq3A_109, %jit3A_110, %jit3A_107 : i32
        %rem3A_112 = arith.remsi %scan3A_44, %select_n3A_111 : i32
        %ne3A_113 = arith.constant 0 : i32
        %ne3A_114 = arith.cmpi ne, %rem3A_112, %ne3A_113 : i32
        %lt3A_115 = arith.constant 0 : i32
        %lt3A_116 = arith.cmpi slt, %rem3A_112, %lt3A_115 : i32
        %lt3A_117 = arith.constant 0 : i32
        %lt3A_118 = arith.cmpi slt, %select_n3A_111, %lt3A_117 : i32
        %ne3A_119 = arith.xori %lt3A_116, %lt3A_118 : i1
        %and3A_120 = arith.andi %ne3A_119, %ne3A_114 : i1
        %add3A_121 = arith.addi %rem3A_112, %select_n3A_111 : i32
        %select_n3A_122 = arith.select %and3A_120, %add3A_121, %rem3A_112 : i32
        %dma_start3A_123 = arith.constant 0 : i32
        %dma_start3A_124 = arith.constant 0 : i32
        %dma_start3A_125 = tpu.memref_slice %arg4[%select_n3A_103, %dma_start3A_123, %dma_start3A_124] : memref<2x2x32000xi32, #tpu.memory_space<vmem>> -> memref<1x2x32000xi32, #tpu.memory_space<vmem>>
        %dma_start3A_126 = tpu.memref_squeeze %dma_start3A_125 : memref<1x2x32000xi32, #tpu.memory_space<vmem>> -> memref<2x32000xi32, #tpu.memory_space<vmem>>
        %dma_start3A_127 = arith.constant 0 : i32
        %dma_start3A_128 = tpu.memref_slice %arg3[%dma_start3A_127, %add3A_106] : memref<2x6400000xi32, #tpu.memory_space<hbm>> -> memref<2x32000xi32, #tpu.memory_space<hbm>>
        %dma_start3A_129 = tpu.memref_slice %arg6[%select_n3A_122] : memref<2x!tpu.dma_semaphore, #tpu.memory_space<semaphore_mem>> -> memref<1x!tpu.dma_semaphore, #tpu.memory_space<semaphore_mem>>
        %dma_start3A_130 = tpu.memref_squeeze %dma_start3A_129 : memref<1x!tpu.dma_semaphore, #tpu.memory_space<semaphore_mem>> -> memref<!tpu.dma_semaphore, #tpu.memory_space<semaphore_mem>>
        %dma_start3A_131 = arith.constant 0 : i32
        %dma_start3A_132 = tpu.memref_slice %arg3[%dma_start3A_131, %add3A_106] : memref<2x6400000xi32, #tpu.memory_space<hbm>> -> memref<2x32000xi32, #tpu.memory_space<hbm>>
        %dma_start3A_133 = arith.constant 0 : i32
        %dma_start3A_134 = arith.constant 0 : i32
        %dma_start3A_135 = tpu.memref_slice %arg4[%select_n3A_103, %dma_start3A_133, %dma_start3A_134] : memref<2x2x32000xi32, #tpu.memory_space<vmem>> -> memref<1x2x32000xi32, #tpu.memory_space<vmem>>
        %dma_start3A_136 = tpu.memref_squeeze %dma_start3A_135 : memref<1x2x32000xi32, #tpu.memory_space<vmem>> -> memref<2x32000xi32, #tpu.memory_space<vmem>>
        tpu.enqueue_dma source(%dma_start3A_136 : memref<2x32000xi32, #tpu.memory_space<vmem>>) target(%dma_start3A_132 : memref<2x32000xi32, #tpu.memory_space<hbm>>) target_semaphore(%dma_start3A_130 : memref<!tpu.dma_semaphore, #tpu.memory_space<semaphore_mem>>)
        %ge3A = arith.constant 1 : i32
        %ge3A_137 = arith.cmpi sge, %scan3A_44, %ge3A : i32
        %convert_element_type3A_138 = arith.extui %ge3A_137 : i1 to i32
        %cond3A_139 = arith.constant 0 : i32
        %cond3A_140 = arith.cmpi ne, %convert_element_type3A_138, %cond3A_139 : i32
        scf.if %cond3A_140 {
          %sub3A = arith.constant 1 : i32
          %sub3A_148 = arith.subi %scan3A_44, %sub3A : i32
          %jit3A_149 = arith.constant 2 : i32
          %eq3A_150 = arith.constant 0 : i32
          %eq3A_151 = arith.cmpi eq, %jit3A_149, %eq3A_150 : i32
          %jit3A_152 = arith.constant 1 : i32
          %select_n3A_153 = arith.select %eq3A_151, %jit3A_152, %jit3A_149 : i32
          %rem3A_154 = arith.remsi %sub3A_148, %select_n3A_153 : i32
          %ne3A_155 = arith.constant 0 : i32
          %ne3A_156 = arith.cmpi ne, %rem3A_154, %ne3A_155 : i32
          %lt3A_157 = arith.constant 0 : i32
          %lt3A_158 = arith.cmpi slt, %rem3A_154, %lt3A_157 : i32
          %lt3A_159 = arith.constant 0 : i32
          %lt3A_160 = arith.cmpi slt, %select_n3A_153, %lt3A_159 : i32
          %ne3A_161 = arith.xori %lt3A_158, %lt3A_160 : i1
          %and3A_162 = arith.andi %ne3A_161, %ne3A_156 : i1
          %add3A_163 = arith.addi %rem3A_154, %select_n3A_153 : i32
          %select_n3A_164 = arith.select %and3A_162, %add3A_163, %rem3A_154 : i32
          %mul3A_165 = arith.constant 32000 : i32
          %mul3A_166 = arith.muli %sub3A_148, %mul3A_165 : i32
          %add3A_167 = arith.addi %mul3A_4, %mul3A_166 : i32
          %jit3A_168 = arith.constant 2 : i32
          %eq3A_169 = arith.constant 0 : i32
          %eq3A_170 = arith.cmpi eq, %jit3A_168, %eq3A_169 : i32
          %jit3A_171 = arith.constant 1 : i32
          %select_n3A_172 = arith.select %eq3A_170, %jit3A_171, %jit3A_168 : i32
          %rem3A_173 = arith.remsi %sub3A_148, %select_n3A_172 : i32
          %ne3A_174 = arith.constant 0 : i32
          %ne3A_175 = arith.cmpi ne, %rem3A_173, %ne3A_174 : i32
          %lt3A_176 = arith.constant 0 : i32
          %lt3A_177 = arith.cmpi slt, %rem3A_173, %lt3A_176 : i32
          %lt3A_178 = arith.constant 0 : i32
          %lt3A_179 = arith.cmpi slt, %select_n3A_172, %lt3A_178 : i32
          %ne3A_180 = arith.xori %lt3A_177, %lt3A_179 : i1
          %and3A_181 = arith.andi %ne3A_180, %ne3A_175 : i1
          %add3A_182 = arith.addi %rem3A_173, %select_n3A_172 : i32
          %select_n3A_183 = arith.select %and3A_181, %add3A_182, %rem3A_173 : i32
          %dma_wait3A_184 = arith.constant 0 : i32
          %dma_wait3A_185 = arith.constant 0 : i32
          %dma_wait3A_186 = tpu.memref_slice %arg4[%select_n3A_164, %dma_wait3A_184, %dma_wait3A_185] : memref<2x2x32000xi32, #tpu.memory_space<vmem>> -> memref<1x2x32000xi32, #tpu.memory_space<vmem>>
          %dma_wait3A_187 = tpu.memref_squeeze %dma_wait3A_186 : memref<1x2x32000xi32, #tpu.memory_space<vmem>> -> memref<2x32000xi32, #tpu.memory_space<vmem>>
          %dma_wait3A_188 = arith.constant 0 : i32
          %dma_wait3A_189 = tpu.memref_slice %arg3[%dma_wait3A_188, %add3A_167] : memref<2x6400000xi32, #tpu.memory_space<hbm>> -> memref<2x32000xi32, #tpu.memory_space<hbm>>
          %dma_wait3A_190 = tpu.memref_slice %arg6[%select_n3A_183] : memref<2x!tpu.dma_semaphore, #tpu.memory_space<semaphore_mem>> -> memref<1x!tpu.dma_semaphore, #tpu.memory_space<semaphore_mem>>
          %dma_wait3A_191 = tpu.memref_squeeze %dma_wait3A_190 : memref<1x!tpu.dma_semaphore, #tpu.memory_space<semaphore_mem>> -> memref<!tpu.dma_semaphore, #tpu.memory_space<semaphore_mem>>
          %dma_wait3A_192 = arith.constant 0 : i32
          %dma_wait3A_193 = tpu.memref_slice %arg3[%dma_wait3A_192, %add3A_167] : memref<2x6400000xi32, #tpu.memory_space<hbm>> -> memref<2x32000xi32, #tpu.memory_space<hbm>>
          %dma_wait3A_194 = arith.constant 0 : i32
          %dma_wait3A_195 = arith.constant 0 : i32
          %dma_wait3A_196 = tpu.memref_slice %arg4[%select_n3A_164, %dma_wait3A_194, %dma_wait3A_195] : memref<2x2x32000xi32, #tpu.memory_space<vmem>> -> memref<1x2x32000xi32, #tpu.memory_space<vmem>>
          %dma_wait3A_197 = tpu.memref_squeeze %dma_wait3A_196 : memref<1x2x32000xi32, #tpu.memory_space<vmem>> -> memref<2x32000xi32, #tpu.memory_space<vmem>>
          tpu.wait_dma2 semaphore(%dma_wait3A_191 : memref<!tpu.dma_semaphore, #tpu.memory_space<semaphore_mem>>) src(%dma_wait3A_197 : memref<2x32000xi32, #tpu.memory_space<vmem>>) dst(%dma_wait3A_193 : memref<2x32000xi32, #tpu.memory_space<hbm>>)
        } else {
        }
        %add3A_141 = arith.constant 1 : i32
        %add3A_142 = arith.addi %scan3A_44, %add3A_141 : i32
        %lt3A_143 = arith.constant 8 : i32
        %lt3A_144 = arith.cmpi slt, %add3A_142, %lt3A_143 : i32
        %convert_element_type3A_145 = arith.extui %lt3A_144 : i1 to i32
        %cond3A_146 = arith.constant 0 : i32
        %cond3A_147 = arith.cmpi ne, %convert_element_type3A_145, %cond3A_146 : i32
        scf.if %cond3A_147 {
          %add3A_148 = arith.constant 1 : i32
          %add3A_149 = arith.addi %scan3A_44, %add3A_148 : i32
          %mul3A_150 = arith.constant 32000 : i32
          %mul3A_151 = arith.muli %add3A_149, %mul3A_150 : i32
          %add3A_152 = arith.addi %mul3A_4, %mul3A_151 : i32
          %jit3A_153 = arith.constant 2 : i32
          %eq3A_154 = arith.constant 0 : i32
          %eq3A_155 = arith.cmpi eq, %jit3A_153, %eq3A_154 : i32
          %jit3A_156 = arith.constant 1 : i32
          %select_n3A_157 = arith.select %eq3A_155, %jit3A_156, %jit3A_153 : i32
          %rem3A_158 = arith.remsi %add3A_149, %select_n3A_157 : i32
          %ne3A_159 = arith.constant 0 : i32
          %ne3A_160 = arith.cmpi ne, %rem3A_158, %ne3A_159 : i32
          %lt3A_161 = arith.constant 0 : i32
          %lt3A_162 = arith.cmpi slt, %rem3A_158, %lt3A_161 : i32
          %lt3A_163 = arith.constant 0 : i32
          %lt3A_164 = arith.cmpi slt, %select_n3A_157, %lt3A_163 : i32
          %ne3A_165 = arith.xori %lt3A_162, %lt3A_164 : i1
          %and3A_166 = arith.andi %ne3A_165, %ne3A_160 : i1
          %add3A_167 = arith.addi %rem3A_158, %select_n3A_157 : i32
          %select_n3A_168 = arith.select %and3A_166, %add3A_167, %rem3A_158 : i32
          %jit3A_169 = arith.constant 2 : i32
          %eq3A_170 = arith.constant 0 : i32
          %eq3A_171 = arith.cmpi eq, %jit3A_169, %eq3A_170 : i32
          %jit3A_172 = arith.constant 1 : i32
          %select_n3A_173 = arith.select %eq3A_171, %jit3A_172, %jit3A_169 : i32
          %rem3A_174 = arith.remsi %add3A_149, %select_n3A_173 : i32
          %ne3A_175 = arith.constant 0 : i32
          %ne3A_176 = arith.cmpi ne, %rem3A_174, %ne3A_175 : i32
          %lt3A_177 = arith.constant 0 : i32
          %lt3A_178 = arith.cmpi slt, %rem3A_174, %lt3A_177 : i32
          %lt3A_179 = arith.constant 0 : i32
          %lt3A_180 = arith.cmpi slt, %select_n3A_173, %lt3A_179 : i32
          %ne3A_181 = arith.xori %lt3A_178, %lt3A_180 : i1
          %and3A_182 = arith.andi %ne3A_181, %ne3A_176 : i1
          %add3A_183 = arith.addi %rem3A_174, %select_n3A_173 : i32
          %select_n3A_184 = arith.select %and3A_182, %add3A_183, %rem3A_174 : i32
          %dma_start3A_185 = arith.constant 0 : i32
          %dma_start3A_186 = arith.constant 0 : i32
          %dma_start3A_187 = tpu.memref_slice %arg4[%select_n3A_168, %dma_start3A_185, %dma_start3A_186] : memref<2x2x32000xi32, #tpu.memory_space<vmem>> -> memref<1x2x32000xi32, #tpu.memory_space<vmem>>
          %dma_start3A_188 = tpu.memref_squeeze %dma_start3A_187 : memref<1x2x32000xi32, #tpu.memory_space<vmem>> -> memref<2x32000xi32, #tpu.memory_space<vmem>>
          %dma_start3A_189 = arith.constant 0 : i32
          %dma_start3A_190 = tpu.memref_slice %arg2[%dma_start3A_189, %add3A_152] : memref<2x6400000xi32, #tpu.memory_space<hbm>> -> memref<2x32000xi32, #tpu.memory_space<hbm>>
          %dma_start3A_191 = tpu.memref_slice %arg5[%select_n3A_184] : memref<2x!tpu.dma_semaphore, #tpu.memory_space<semaphore_mem>> -> memref<1x!tpu.dma_semaphore, #tpu.memory_space<semaphore_mem>>
          %dma_start3A_192 = tpu.memref_squeeze %dma_start3A_191 : memref<1x!tpu.dma_semaphore, #tpu.memory_space<semaphore_mem>> -> memref<!tpu.dma_semaphore, #tpu.memory_space<semaphore_mem>>
          %dma_start3A_193 = arith.constant 0 : i32
          %dma_start3A_194 = arith.constant 0 : i32
          %dma_start3A_195 = tpu.memref_slice %arg4[%select_n3A_168, %dma_start3A_193, %dma_start3A_194] : memref<2x2x32000xi32, #tpu.memory_space<vmem>> -> memref<1x2x32000xi32, #tpu.memory_space<vmem>>
          %dma_start3A_196 = tpu.memref_squeeze %dma_start3A_195 : memref<1x2x32000xi32, #tpu.memory_space<vmem>> -> memref<2x32000xi32, #tpu.memory_space<vmem>>
          %dma_start3A_197 = arith.constant 0 : i32
          %dma_start3A_198 = tpu.memref_slice %arg2[%dma_start3A_197, %add3A_152] : memref<2x6400000xi32, #tpu.memory_space<hbm>> -> memref<2x32000xi32, #tpu.memory_space<hbm>>
          tpu.enqueue_dma source(%dma_start3A_198 : memref<2x32000xi32, #tpu.memory_space<hbm>>) target(%dma_start3A_196 : memref<2x32000xi32, #tpu.memory_space<vmem>>) target_semaphore(%dma_start3A_192 : memref<!tpu.dma_semaphore, #tpu.memory_space<semaphore_mem>>)
        } else {
        }
      }
      %scan3A_26 = arith.constant 8 : i32
      %add3A_27 = arith.constant 224000 : i32
      %add3A_28 = arith.addi %mul3A_4, %add3A_27 : i32
      %dma_wait3A = arith.constant 1 : i32
      %dma_wait3A_29 = arith.constant 1 : i32
      %dma_wait3A_30 = arith.constant 0 : i32
      %dma_wait3A_31 = arith.constant 0 : i32
      %dma_wait3A_32 = tpu.memref_slice %arg4[%dma_wait3A, %dma_wait3A_30, %dma_wait3A_31] : memref<2x2x32000xi32, #tpu.memory_space<vmem>> -> memref<1x2x32000xi32, #tpu.memory_space<vmem>>
      %dma_wait3A_33 = tpu.memref_squeeze %dma_wait3A_32 : memref<1x2x32000xi32, #tpu.memory_space<vmem>> -> memref<2x32000xi32, #tpu.memory_space<vmem>>
      %dma_wait3A_34 = arith.constant 0 : i32
      %dma_wait3A_35 = tpu.memref_slice %arg3[%dma_wait3A_34, %add3A_28] : memref<2x6400000xi32, #tpu.memory_space<hbm>> -> memref<2x32000xi32, #tpu.memory_space<hbm>>
      %dma_wait3A_36 = tpu.memref_slice %arg6[%dma_wait3A_29] : memref<2x!tpu.dma_semaphore, #tpu.memory_space<semaphore_mem>> -> memref<1x!tpu.dma_semaphore, #tpu.memory_space<semaphore_mem>>
      %dma_wait3A_37 = tpu.memref_squeeze %dma_wait3A_36 : memref<1x!tpu.dma_semaphore, #tpu.memory_space<semaphore_mem>> -> memref<!tpu.dma_semaphore, #tpu.memory_space<semaphore_mem>>
      %dma_wait3A_38 = arith.constant 0 : i32
      %dma_wait3A_39 = tpu.memref_slice %arg3[%dma_wait3A_38, %add3A_28] : memref<2x6400000xi32, #tpu.memory_space<hbm>> -> memref<2x32000xi32, #tpu.memory_space<hbm>>
      %dma_wait3A_40 = arith.constant 0 : i32
      %dma_wait3A_41 = arith.constant 0 : i32
      %dma_wait3A_42 = tpu.memref_slice %arg4[%dma_wait3A, %dma_wait3A_40, %dma_wait3A_41] : memref<2x2x32000xi32, #tpu.memory_space<vmem>> -> memref<1x2x32000xi32, #tpu.memory_space<vmem>>
      %dma_wait3A_43 = tpu.memref_squeeze %dma_wait3A_42 : memref<1x2x32000xi32, #tpu.memory_space<vmem>> -> memref<2x32000xi32, #tpu.memory_space<vmem>>
      tpu.wait_dma2 semaphore(%dma_wait3A_37 : memref<!tpu.dma_semaphore, #tpu.memory_space<semaphore_mem>>) src(%dma_wait3A_43 : memref<2x32000xi32, #tpu.memory_space<vmem>>) dst(%dma_wait3A_39 : memref<2x32000xi32, #tpu.memory_space<hbm>>)
    } else {
    }
    return
  }
}

module attributes {stable_mosaic.version = 14 : i64} {
  func.func @_dropout_block(%arg0: i32, %arg1: memref<2000x128xf32, #tpu.memory_space<vmem>>, %arg2: memref<2000x128xf32, #tpu.memory_space<vmem>>) attributes {dimension_semantics = [#tpu.dimension_semantics<arbitrary>], iteration_bounds = array<i64: 25>, scalar_prefetch = 0 : i64, scratch_operands = 0 : i64, tpu.core_type = #tpu.core_type<tc>, window_params = [{transform_indices = @transform_0, window_bounds = array<i64: 2000, 128>}, {transform_indices = @transform_1, window_bounds = array<i64: 2000, 128>}]} {
    %iota3A = tpu.iota {dimensions = array<i32: 0>} : vector<2000x128xi32>
    %mul3A = arith.constant 128 : i32
    %mul3A_0 = vector.broadcast %mul3A : i32 to vector<2000x128xi32>
    %mul3A_1 = arith.muli %iota3A, %mul3A_0 : vector<2000x128xi32>
    %iota3A_2 = tpu.iota {dimensions = array<i32: 1>} : vector<2000x128xi32>
    %add3A = arith.addi %mul3A_1, %iota3A_2 : vector<2000x128xi32>
    %mul3A_3 = arith.constant 256000 : i32
    %mul3A_4 = arith.muli %arg0, %mul3A_3 : i32
    %add3A_5 = arith.constant -1749498911 : i32
    %add3A_6 = arith.addi %mul3A_4, %add3A_5 : i32
    %add3A_7 = vector.broadcast %add3A_6 : i32 to vector<2000x128xi32>
    %add3A_8 = arith.addi %add3A, %add3A_7 : vector<2000x128xi32>
    %add3A_9 = arith.constant -2047452283 : i32
    %add3A_10 = vector.broadcast %add3A_9 : i32 to vector<2000x128xi32>
    %add3A_11 = arith.addi %add3A_10, %add3A_8 : vector<2000x128xi32>
    %shift_left3A = arith.constant 13 : i32
    %shift_left3A_12 = vector.broadcast %shift_left3A : i32 to vector<2000x128xi32>
    %shift_left3A_13 = arith.shli %add3A_8, %shift_left3A_12 : vector<2000x128xi32>
    %shift_right_logical3A = arith.constant 19 : i32
    %shift_right_logical3A_14 = vector.broadcast %shift_right_logical3A : i32 to vector<2000x128xi32>
    %shift_right_logical3A_15 = arith.shrui %add3A_8, %shift_right_logical3A_14 : vector<2000x128xi32>
    %or3A = arith.ori %shift_left3A_13, %shift_right_logical3A_15 : vector<2000x128xi32>
    %xor3A = arith.xori %or3A, %add3A_11 : vector<2000x128xi32>
    %add3A_16 = arith.addi %add3A_11, %xor3A : vector<2000x128xi32>
    %shift_left3A_17 = arith.constant 15 : i32
    %shift_left3A_18 = vector.broadcast %shift_left3A_17 : i32 to vector<2000x128xi32>
    %shift_left3A_19 = arith.shli %xor3A, %shift_left3A_18 : vector<2000x128xi32>
    %shift_right_logical3A_20 = arith.constant 17 : i32
    %shift_right_logical3A_21 = vector.broadcast %shift_right_logical3A_20 : i32 to vector<2000x128xi32>
    %shift_right_logical3A_22 = arith.shrui %xor3A, %shift_right_logical3A_21 : vector<2000x128xi32>
    %or3A_23 = arith.ori %shift_left3A_19, %shift_right_logical3A_22 : vector<2000x128xi32>
    %xor3A_24 = arith.xori %or3A_23, %add3A_16 : vector<2000x128xi32>
    %add3A_25 = arith.addi %add3A_16, %xor3A_24 : vector<2000x128xi32>
    %shift_left3A_26 = arith.constant 26 : i32
    %shift_left3A_27 = vector.broadcast %shift_left3A_26 : i32 to vector<2000x128xi32>
    %shift_left3A_28 = arith.shli %xor3A_24, %shift_left3A_27 : vector<2000x128xi32>
    %shift_right_logical3A_29 = arith.constant 6 : i32
    %shift_right_logical3A_30 = vector.broadcast %shift_right_logical3A_29 : i32 to vector<2000x128xi32>
    %shift_right_logical3A_31 = arith.shrui %xor3A_24, %shift_right_logical3A_30 : vector<2000x128xi32>
    %or3A_32 = arith.ori %shift_left3A_28, %shift_right_logical3A_31 : vector<2000x128xi32>
    %xor3A_33 = arith.xori %or3A_32, %add3A_25 : vector<2000x128xi32>
    %add3A_34 = arith.addi %add3A_25, %xor3A_33 : vector<2000x128xi32>
    %shift_left3A_35 = arith.constant 6 : i32
    %shift_left3A_36 = vector.broadcast %shift_left3A_35 : i32 to vector<2000x128xi32>
    %shift_left3A_37 = arith.shli %xor3A_33, %shift_left3A_36 : vector<2000x128xi32>
    %shift_right_logical3A_38 = arith.constant 26 : i32
    %shift_right_logical3A_39 = vector.broadcast %shift_right_logical3A_38 : i32 to vector<2000x128xi32>
    %shift_right_logical3A_40 = arith.shrui %xor3A_33, %shift_right_logical3A_39 : vector<2000x128xi32>
    %or3A_41 = arith.ori %shift_left3A_37, %shift_right_logical3A_40 : vector<2000x128xi32>
    %xor3A_42 = arith.xori %or3A_41, %add3A_34 : vector<2000x128xi32>
    %add3A_43 = arith.constant -1749498911 : i32
    %add3A_44 = vector.broadcast %add3A_43 : i32 to vector<2000x128xi32>
    %add3A_45 = arith.addi %add3A_34, %add3A_44 : vector<2000x128xi32>
    %add3A_46 = arith.constant 161448894 : i32
    %add3A_47 = vector.broadcast %add3A_46 : i32 to vector<2000x128xi32>
    %add3A_48 = arith.addi %xor3A_42, %add3A_47 : vector<2000x128xi32>
    %add3A_49 = arith.constant 1 : i32
    %add3A_50 = vector.broadcast %add3A_49 : i32 to vector<2000x128xi32>
    %add3A_51 = arith.addi %add3A_48, %add3A_50 : vector<2000x128xi32>
    %add3A_52 = arith.addi %add3A_45, %add3A_51 : vector<2000x128xi32>
    %shift_left3A_53 = arith.constant 17 : i32
    %shift_left3A_54 = vector.broadcast %shift_left3A_53 : i32 to vector<2000x128xi32>
    %shift_left3A_55 = arith.shli %add3A_51, %shift_left3A_54 : vector<2000x128xi32>
    %shift_right_logical3A_56 = arith.constant 15 : i32
    %shift_right_logical3A_57 = vector.broadcast %shift_right_logical3A_56 : i32 to vector<2000x128xi32>
    %shift_right_logical3A_58 = arith.shrui %add3A_51, %shift_right_logical3A_57 : vector<2000x128xi32>
    %or3A_59 = arith.ori %shift_left3A_55, %shift_right_logical3A_58 : vector<2000x128xi32>
    %xor3A_60 = arith.xori %or3A_59, %add3A_52 : vector<2000x128xi32>
    %add3A_61 = arith.addi %add3A_52, %xor3A_60 : vector<2000x128xi32>
    %shift_left3A_62 = arith.constant 29 : i32
    %shift_left3A_63 = vector.broadcast %shift_left3A_62 : i32 to vector<2000x128xi32>
    %shift_left3A_64 = arith.shli %xor3A_60, %shift_left3A_63 : vector<2000x128xi32>
    %shift_right_logical3A_65 = arith.constant 3 : i32
    %shift_right_logical3A_66 = vector.broadcast %shift_right_logical3A_65 : i32 to vector<2000x128xi32>
    %shift_right_logical3A_67 = arith.shrui %xor3A_60, %shift_right_logical3A_66 : vector<2000x128xi32>
    %or3A_68 = arith.ori %shift_left3A_64, %shift_right_logical3A_67 : vector<2000x128xi32>
    %xor3A_69 = arith.xori %or3A_68, %add3A_61 : vector<2000x128xi32>
    %add3A_70 = arith.addi %add3A_61, %xor3A_69 : vector<2000x128xi32>
    %shift_left3A_71 = arith.constant 16 : i32
    %shift_left3A_72 = vector.broadcast %shift_left3A_71 : i32 to vector<2000x128xi32>
    %shift_left3A_73 = arith.shli %xor3A_69, %shift_left3A_72 : vector<2000x128xi32>
    %shift_right_logical3A_74 = arith.constant 16 : i32
    %shift_right_logical3A_75 = vector.broadcast %shift_right_logical3A_74 : i32 to vector<2000x128xi32>
    %shift_right_logical3A_76 = arith.shrui %xor3A_69, %shift_right_logical3A_75 : vector<2000x128xi32>
    %or3A_77 = arith.ori %shift_left3A_73, %shift_right_logical3A_76 : vector<2000x128xi32>
    %xor3A_78 = arith.xori %or3A_77, %add3A_70 : vector<2000x128xi32>
    %add3A_79 = arith.addi %add3A_70, %xor3A_78 : vector<2000x128xi32>
    %shift_left3A_80 = arith.constant 24 : i32
    %shift_left3A_81 = vector.broadcast %shift_left3A_80 : i32 to vector<2000x128xi32>
    %shift_left3A_82 = arith.shli %xor3A_78, %shift_left3A_81 : vector<2000x128xi32>
    %shift_right_logical3A_83 = arith.constant 8 : i32
    %shift_right_logical3A_84 = vector.broadcast %shift_right_logical3A_83 : i32 to vector<2000x128xi32>
    %shift_right_logical3A_85 = arith.shrui %xor3A_78, %shift_right_logical3A_84 : vector<2000x128xi32>
    %or3A_86 = arith.ori %shift_left3A_82, %shift_right_logical3A_85 : vector<2000x128xi32>
    %xor3A_87 = arith.xori %or3A_86, %add3A_79 : vector<2000x128xi32>
    %add3A_88 = arith.constant 161448894 : i32
    %add3A_89 = vector.broadcast %add3A_88 : i32 to vector<2000x128xi32>
    %add3A_90 = arith.addi %add3A_79, %add3A_89 : vector<2000x128xi32>
    %add3A_91 = arith.constant -2047452283 : i32
    %add3A_92 = vector.broadcast %add3A_91 : i32 to vector<2000x128xi32>
    %add3A_93 = arith.addi %xor3A_87, %add3A_92 : vector<2000x128xi32>
    %add3A_94 = arith.constant 2 : i32
    %add3A_95 = vector.broadcast %add3A_94 : i32 to vector<2000x128xi32>
    %add3A_96 = arith.addi %add3A_93, %add3A_95 : vector<2000x128xi32>
    %add3A_97 = arith.addi %add3A_90, %add3A_96 : vector<2000x128xi32>
    %shift_left3A_98 = arith.constant 13 : i32
    %shift_left3A_99 = vector.broadcast %shift_left3A_98 : i32 to vector<2000x128xi32>
    %shift_left3A_100 = arith.shli %add3A_96, %shift_left3A_99 : vector<2000x128xi32>
    %shift_right_logical3A_101 = arith.constant 19 : i32
    %shift_right_logical3A_102 = vector.broadcast %shift_right_logical3A_101 : i32 to vector<2000x128xi32>
    %shift_right_logical3A_103 = arith.shrui %add3A_96, %shift_right_logical3A_102 : vector<2000x128xi32>
    %or3A_104 = arith.ori %shift_left3A_100, %shift_right_logical3A_103 : vector<2000x128xi32>
    %xor3A_105 = arith.xori %or3A_104, %add3A_97 : vector<2000x128xi32>
    %add3A_106 = arith.addi %add3A_97, %xor3A_105 : vector<2000x128xi32>
    %shift_left3A_107 = arith.constant 15 : i32
    %shift_left3A_108 = vector.broadcast %shift_left3A_107 : i32 to vector<2000x128xi32>
    %shift_left3A_109 = arith.shli %xor3A_105, %shift_left3A_108 : vector<2000x128xi32>
    %shift_right_logical3A_110 = arith.constant 17 : i32
    %shift_right_logical3A_111 = vector.broadcast %shift_right_logical3A_110 : i32 to vector<2000x128xi32>
    %shift_right_logical3A_112 = arith.shrui %xor3A_105, %shift_right_logical3A_111 : vector<2000x128xi32>
    %or3A_113 = arith.ori %shift_left3A_109, %shift_right_logical3A_112 : vector<2000x128xi32>
    %xor3A_114 = arith.xori %or3A_113, %add3A_106 : vector<2000x128xi32>
    %add3A_115 = arith.addi %add3A_106, %xor3A_114 : vector<2000x128xi32>
    %shift_left3A_116 = arith.constant 26 : i32
    %shift_left3A_117 = vector.broadcast %shift_left3A_116 : i32 to vector<2000x128xi32>
    %shift_left3A_118 = arith.shli %xor3A_114, %shift_left3A_117 : vector<2000x128xi32>
    %shift_right_logical3A_119 = arith.constant 6 : i32
    %shift_right_logical3A_120 = vector.broadcast %shift_right_logical3A_119 : i32 to vector<2000x128xi32>
    %shift_right_logical3A_121 = arith.shrui %xor3A_114, %shift_right_logical3A_120 : vector<2000x128xi32>
    %or3A_122 = arith.ori %shift_left3A_118, %shift_right_logical3A_121 : vector<2000x128xi32>
    %xor3A_123 = arith.xori %or3A_122, %add3A_115 : vector<2000x128xi32>
    %add3A_124 = arith.addi %add3A_115, %xor3A_123 : vector<2000x128xi32>
    %shift_left3A_125 = arith.constant 6 : i32
    %shift_left3A_126 = vector.broadcast %shift_left3A_125 : i32 to vector<2000x128xi32>
    %shift_left3A_127 = arith.shli %xor3A_123, %shift_left3A_126 : vector<2000x128xi32>
    %shift_right_logical3A_128 = arith.constant 26 : i32
    %shift_right_logical3A_129 = vector.broadcast %shift_right_logical3A_128 : i32 to vector<2000x128xi32>
    %shift_right_logical3A_130 = arith.shrui %xor3A_123, %shift_right_logical3A_129 : vector<2000x128xi32>
    %or3A_131 = arith.ori %shift_left3A_127, %shift_right_logical3A_130 : vector<2000x128xi32>
    %xor3A_132 = arith.xori %or3A_131, %add3A_124 : vector<2000x128xi32>
    %add3A_133 = arith.constant -2047452283 : i32
    %add3A_134 = vector.broadcast %add3A_133 : i32 to vector<2000x128xi32>
    %add3A_135 = arith.addi %add3A_124, %add3A_134 : vector<2000x128xi32>
    %add3A_136 = arith.constant -1749498911 : i32
    %add3A_137 = vector.broadcast %add3A_136 : i32 to vector<2000x128xi32>
    %add3A_138 = arith.addi %xor3A_132, %add3A_137 : vector<2000x128xi32>
    %add3A_139 = arith.constant 3 : i32
    %add3A_140 = vector.broadcast %add3A_139 : i32 to vector<2000x128xi32>
    %add3A_141 = arith.addi %add3A_138, %add3A_140 : vector<2000x128xi32>
    %add3A_142 = arith.addi %add3A_135, %add3A_141 : vector<2000x128xi32>
    %shift_left3A_143 = arith.constant 17 : i32
    %shift_left3A_144 = vector.broadcast %shift_left3A_143 : i32 to vector<2000x128xi32>
    %shift_left3A_145 = arith.shli %add3A_141, %shift_left3A_144 : vector<2000x128xi32>
    %shift_right_logical3A_146 = arith.constant 15 : i32
    %shift_right_logical3A_147 = vector.broadcast %shift_right_logical3A_146 : i32 to vector<2000x128xi32>
    %shift_right_logical3A_148 = arith.shrui %add3A_141, %shift_right_logical3A_147 : vector<2000x128xi32>
    %or3A_149 = arith.ori %shift_left3A_145, %shift_right_logical3A_148 : vector<2000x128xi32>
    %xor3A_150 = arith.xori %or3A_149, %add3A_142 : vector<2000x128xi32>
    %add3A_151 = arith.addi %add3A_142, %xor3A_150 : vector<2000x128xi32>
    %shift_left3A_152 = arith.constant 29 : i32
    %shift_left3A_153 = vector.broadcast %shift_left3A_152 : i32 to vector<2000x128xi32>
    %shift_left3A_154 = arith.shli %xor3A_150, %shift_left3A_153 : vector<2000x128xi32>
    %shift_right_logical3A_155 = arith.constant 3 : i32
    %shift_right_logical3A_156 = vector.broadcast %shift_right_logical3A_155 : i32 to vector<2000x128xi32>
    %shift_right_logical3A_157 = arith.shrui %xor3A_150, %shift_right_logical3A_156 : vector<2000x128xi32>
    %or3A_158 = arith.ori %shift_left3A_154, %shift_right_logical3A_157 : vector<2000x128xi32>
    %xor3A_159 = arith.xori %or3A_158, %add3A_151 : vector<2000x128xi32>
    %add3A_160 = arith.addi %add3A_151, %xor3A_159 : vector<2000x128xi32>
    %shift_left3A_161 = arith.constant 16 : i32
    %shift_left3A_162 = vector.broadcast %shift_left3A_161 : i32 to vector<2000x128xi32>
    %shift_left3A_163 = arith.shli %xor3A_159, %shift_left3A_162 : vector<2000x128xi32>
    %shift_right_logical3A_164 = arith.constant 16 : i32
    %shift_right_logical3A_165 = vector.broadcast %shift_right_logical3A_164 : i32 to vector<2000x128xi32>
    %shift_right_logical3A_166 = arith.shrui %xor3A_159, %shift_right_logical3A_165 : vector<2000x128xi32>
    %or3A_167 = arith.ori %shift_left3A_163, %shift_right_logical3A_166 : vector<2000x128xi32>
    %xor3A_168 = arith.xori %or3A_167, %add3A_160 : vector<2000x128xi32>
    %add3A_169 = arith.addi %add3A_160, %xor3A_168 : vector<2000x128xi32>
    %shift_left3A_170 = arith.constant 24 : i32
    %shift_left3A_171 = vector.broadcast %shift_left3A_170 : i32 to vector<2000x128xi32>
    %shift_left3A_172 = arith.shli %xor3A_168, %shift_left3A_171 : vector<2000x128xi32>
    %shift_right_logical3A_173 = arith.constant 8 : i32
    %shift_right_logical3A_174 = vector.broadcast %shift_right_logical3A_173 : i32 to vector<2000x128xi32>
    %shift_right_logical3A_175 = arith.shrui %xor3A_168, %shift_right_logical3A_174 : vector<2000x128xi32>
    %or3A_176 = arith.ori %shift_left3A_172, %shift_right_logical3A_175 : vector<2000x128xi32>
    %xor3A_177 = arith.xori %or3A_176, %add3A_169 : vector<2000x128xi32>
    %add3A_178 = arith.constant -1749498911 : i32
    %add3A_179 = vector.broadcast %add3A_178 : i32 to vector<2000x128xi32>
    %add3A_180 = arith.addi %add3A_169, %add3A_179 : vector<2000x128xi32>
    %add3A_181 = arith.constant 161448894 : i32
    %add3A_182 = vector.broadcast %add3A_181 : i32 to vector<2000x128xi32>
    %add3A_183 = arith.addi %xor3A_177, %add3A_182 : vector<2000x128xi32>
    %add3A_184 = arith.constant 4 : i32
    %add3A_185 = vector.broadcast %add3A_184 : i32 to vector<2000x128xi32>
    %add3A_186 = arith.addi %add3A_183, %add3A_185 : vector<2000x128xi32>
    %add3A_187 = arith.addi %add3A_180, %add3A_186 : vector<2000x128xi32>
    %shift_left3A_188 = arith.constant 13 : i32
    %shift_left3A_189 = vector.broadcast %shift_left3A_188 : i32 to vector<2000x128xi32>
    %shift_left3A_190 = arith.shli %add3A_186, %shift_left3A_189 : vector<2000x128xi32>
    %shift_right_logical3A_191 = arith.constant 19 : i32
    %shift_right_logical3A_192 = vector.broadcast %shift_right_logical3A_191 : i32 to vector<2000x128xi32>
    %shift_right_logical3A_193 = arith.shrui %add3A_186, %shift_right_logical3A_192 : vector<2000x128xi32>
    %or3A_194 = arith.ori %shift_left3A_190, %shift_right_logical3A_193 : vector<2000x128xi32>
    %xor3A_195 = arith.xori %or3A_194, %add3A_187 : vector<2000x128xi32>
    %add3A_196 = arith.addi %add3A_187, %xor3A_195 : vector<2000x128xi32>
    %shift_left3A_197 = arith.constant 15 : i32
    %shift_left3A_198 = vector.broadcast %shift_left3A_197 : i32 to vector<2000x128xi32>
    %shift_left3A_199 = arith.shli %xor3A_195, %shift_left3A_198 : vector<2000x128xi32>
    %shift_right_logical3A_200 = arith.constant 17 : i32
    %shift_right_logical3A_201 = vector.broadcast %shift_right_logical3A_200 : i32 to vector<2000x128xi32>
    %shift_right_logical3A_202 = arith.shrui %xor3A_195, %shift_right_logical3A_201 : vector<2000x128xi32>
    %or3A_203 = arith.ori %shift_left3A_199, %shift_right_logical3A_202 : vector<2000x128xi32>
    %xor3A_204 = arith.xori %or3A_203, %add3A_196 : vector<2000x128xi32>
    %add3A_205 = arith.addi %add3A_196, %xor3A_204 : vector<2000x128xi32>
    %shift_left3A_206 = arith.constant 26 : i32
    %shift_left3A_207 = vector.broadcast %shift_left3A_206 : i32 to vector<2000x128xi32>
    %shift_left3A_208 = arith.shli %xor3A_204, %shift_left3A_207 : vector<2000x128xi32>
    %shift_right_logical3A_209 = arith.constant 6 : i32
    %shift_right_logical3A_210 = vector.broadcast %shift_right_logical3A_209 : i32 to vector<2000x128xi32>
    %shift_right_logical3A_211 = arith.shrui %xor3A_204, %shift_right_logical3A_210 : vector<2000x128xi32>
    %or3A_212 = arith.ori %shift_left3A_208, %shift_right_logical3A_211 : vector<2000x128xi32>
    %xor3A_213 = arith.xori %or3A_212, %add3A_205 : vector<2000x128xi32>
    %add3A_214 = arith.addi %add3A_205, %xor3A_213 : vector<2000x128xi32>
    %shift_left3A_215 = arith.constant 6 : i32
    %shift_left3A_216 = vector.broadcast %shift_left3A_215 : i32 to vector<2000x128xi32>
    %shift_left3A_217 = arith.shli %xor3A_213, %shift_left3A_216 : vector<2000x128xi32>
    %shift_right_logical3A_218 = arith.constant 26 : i32
    %shift_right_logical3A_219 = vector.broadcast %shift_right_logical3A_218 : i32 to vector<2000x128xi32>
    %shift_right_logical3A_220 = arith.shrui %xor3A_213, %shift_right_logical3A_219 : vector<2000x128xi32>
    %or3A_221 = arith.ori %shift_left3A_217, %shift_right_logical3A_220 : vector<2000x128xi32>
    %xor3A_222 = arith.xori %or3A_221, %add3A_214 : vector<2000x128xi32>
    %add3A_223 = arith.constant 161448894 : i32
    %add3A_224 = vector.broadcast %add3A_223 : i32 to vector<2000x128xi32>
    %add3A_225 = arith.addi %add3A_214, %add3A_224 : vector<2000x128xi32>
    %add3A_226 = arith.constant -2047452283 : i32
    %add3A_227 = vector.broadcast %add3A_226 : i32 to vector<2000x128xi32>
    %add3A_228 = arith.addi %xor3A_222, %add3A_227 : vector<2000x128xi32>
    %add3A_229 = arith.constant 5 : i32
    %add3A_230 = vector.broadcast %add3A_229 : i32 to vector<2000x128xi32>
    %add3A_231 = arith.addi %add3A_228, %add3A_230 : vector<2000x128xi32>
    %xor3A_232 = arith.xori %add3A_225, %add3A_231 : vector<2000x128xi32>
    %bitcast_convert_type3A = tpu.bitcast %xor3A_232 : vector<2000x128xi32> -> vector<2000x128xi32>
    %ge3A = arith.constant 429496832 : i32
    %ge3A_233 = vector.broadcast %ge3A : i32 to vector<2000x128xi32>
    %ge3A_234 = arith.cmpi uge, %bitcast_convert_type3A, %ge3A_233 : vector<2000x128xi32>
    %get3A = arith.constant 0 : index
    %get3A_235 = arith.constant 0 : index
    %get3A_236 = vector.load %arg1[%get3A, %get3A_235] : memref<2000x128xf32, #tpu.memory_space<vmem>>, vector<2000x128xf32>
    %mul3A_237 = arith.constant 1.11111116 : f32
    %mul3A_238 = vector.broadcast %mul3A_237 : f32 to vector<2000x128xf32>
    %mul3A_239 = arith.mulf %get3A_236, %mul3A_238 : vector<2000x128xf32>
    %jit3A = arith.constant 0.000000e+00 : f32
    %broadcast_in_dim3A = vector.broadcast %jit3A : f32 to vector<2000x128xf32>
    %select_n3A = arith.select %ge3A_234, %mul3A_239, %broadcast_in_dim3A : vector<2000x128xi1>, vector<2000x128xf32>
    %swap3A = arith.constant 0 : index
    %swap3A_240 = arith.constant 0 : index
    %swap3A_241 = vector.load %arg2[%swap3A, %swap3A_240] : memref<2000x128xf32, #tpu.memory_space<vmem>>, vector<2000x128xf32>
    tpu.vector_store %arg2[%swap3A, %swap3A_240], %select_n3A {strides = array<i32>} : memref<2000x128xf32, #tpu.memory_space<vmem>>, vector<2000x128xf32>,
    return
  }
  func.func @transform_0(%arg0: i32) -> (i32, i32) {
    %c0_i32 = arith.constant 0 : i32
    %c0_i32_0 = arith.constant 0 : i32
    return %arg0, %c0_i32 : i32, i32
  }
  func.func @transform_1(%arg0: i32) -> (i32, i32) {
    %c0_i32 = arith.constant 0 : i32
    %c0_i32_0 = arith.constant 0 : i32
    return %arg0, %c0_i32 : i32, i32
  }
}

</mosaic_0001>

<sc_bundles>
// kernel: kernel.4.cloned.1.call-start
scs
__scs_entry_jumppad:
0x0: {  	(pc) =	sbr.rel $0x88, $3  }
0x1: {  	(tag) =	ssettag $0x0;
	lr =	simm.s32 $0x1  }
0x2: {  	[smem:$0x3F9F] =	sst lr;
	_ =	strace $0xD0000000  }
0x3: {  	_ = 	snop  }
0x4: {  	_ = 	snop  }
0x5: {  	_ = 	snop  }
0x6: {  	_ = 	snop  }
0x7: {  	_ = 	snop  }
__scs_overlays_trampoline_lowered:
0x8: {  	[smem:$0x3FAE] =	sst s0  }
0x9: {  	[smem:$0x3FAF] =	sst s1  }
0xa: {  	[smem:$0x3FB0] =	sst s2  }
0xb: {  	[smem:$0x3FB1] =	sst s3  }
0xc: {  	[smem:$0x3FB2] =	sst s4  }
0xd: {  	[smem:$0x3FB3] =	sst s5  }
0xe: {  	[smem:$0x3FB4] =	sst s6  }
0xf: {  	[smem:$0x3FB5] =	sst s7  }
0x10: {  	[smem:$0x3FB6] =	sst s8  }
0x11: {  	[smem:$0x3FB7] =	sst s9;
	s0 =	simm.s32 @!p0 $0x0  }
0x12: {  	s1 =	sld [smem:$0x3F9D];
	s0 =	simm.s32 @p0 $0x1  }
0x13: {  	[smem:$0x3FB8] =	sst s0;
	s0 =	simm.s32 @!p1 $0x0  }
0x14: {  	s2 =	sld [smem:$0x3F9C];
	s0 =	simm.s32 @p1 $0x1  }
0x15: {  	[smem:$0x3FB9] =	sst s0;
	s0 =	simm.s32 @!p2 $0x0  }
0x16: {  	s3 =	sld [smem:$0x3FDB];
	s0 =	simm.s32 @p2 $0x1  }
0x17: {  	s4 =	simm.s32 $0x1BF5;
	[smem:$0x3FBB] =	sst s0  }
0x18: {  	s0 =	sld [smem:$0x3F9E];
	_ =	swait.ge [sflag:s4], $0x0  }
0x19: {  	s7 =	sld [smem:$0x3F9F]  }
0x1a: {  	s8 =	sadd.s32 $0xFFFFE003, lr  }
0x1b: {  	s9 =	sadd.s32 $0xFFFFFEF7, lr;
	s5 =	simm.s32 $0xFFFFFFFF;
	p2 =	slt.u32 s8, $0xFFFFF086  }
0x1c: {  	p1 =	slt.u32 s9, $0xF7A;
	s5 =	simm.s32 @!p2 $0x0  }
0x1d: {  	s5 =	simm.s32 @p1 $0x1;
	p0 =	seq.s32 s7, s2  }
0x1e: {  	s7 =	smul.u32 @!p0 $0xF7A, s2;
	p2 =	seq.s32 @!p0 s5, $0x0  }
0x1f: {  	s9 =	smul.u32 $0xF7A, s1;
	s8 =	simm.s32 @!p0 $0x1BF5;
	p2 =	por !p2, p0  }
0x20: {  	[sflag:s8] =	ssyncset.s32 @!p0 $0xFFFFF086;
	s6 =	sadd.s32 @!p0 s3, s7;
	s7 =	simm.s32 @!p0 $0x108  }
0x21: {  	s3 =	sadd.s32 s3, s9;
	s6 =	sadd.s32 @!p0 $0x88, s6;
	s7 =	simm.s32 @p2 $0x1082  }
0x22: {  	[simem:s7], [sflag:s8] =	dma.local @!p0 [hbm:s6], $0xF7A  }
0x23: {  	s9 =	sor.u32 $0xD0000000, s2;
	s6 =	simm.s32 $0x108;
	_ =	swait.ge @!p0 [sflag:s8], $0x0  }
0x24: {  	s3 =	sadd.s32 $0x88, s3;
	s6 =	simm.s32 @!p1 $0x1082;
	[sflag:s4] =	ssyncset.s32 $0xFFFFF086  }
0x25: {  	[simem:s6], [sflag:s4] =	dma.local [hbm:s3], $0xF7A  }
0x26: {  	[smem:$0x3F9F] =	sst s1;
	(tag) =	ssettag s2;
	_ =	strace s9  }
0x27: {  	s1 =	sld [smem:$0x3FAF]  }
0x28: {  	s2 =	sld [smem:$0x3FB0]  }
0x29: {  	s4 =	sld [smem:$0x3FB2]  }
0x2a: {  	p0 =	seq.s32 s5, $0x0;
	s5 =	sld [smem:$0x3FB3]  }
0x2b: {  	s6 =	sld [smem:$0x3FB4]  }
0x2c: {  	s7 =	sld [smem:$0x3FB5]  }
0x2d: {  	s3 =	simm.s32 $0x108;
	s8 =	sld [smem:$0x3FB6]  }
0x2e: {  	s3 =	simm.s32 @!p0 $0x1082;
	s9 =	sld [smem:$0x3FB7]  }
0x2f: {  	lr =	sadd.s32 s0, s3;
	s0 =	sld [smem:$0x3FAE]  }
0x30: {  	s3 =	sld [smem:$0x3FB1]  }
0x31: {  	[smem:$0x3FBA] =	sst s10  }
0x32: {  	s10 =	sld [smem:$0x3FB8];
	_ =	sdelay $0x3  }
0x33: {  	p0 =	seq.s32 s10, $0x1;
	s10 =	sld [smem:$0x3FBA];
	_ =	sdelay $0x3  }
0x34: {  	[smem:$0x3FBA] =	sst s10  }
0x35: {  	s10 =	sld [smem:$0x3FB9];
	_ =	sdelay $0x3  }
0x36: {  	p1 =	seq.s32 s10, $0x1;
	s10 =	sld [smem:$0x3FBA];
	_ =	sdelay $0x3  }
0x37: {  	[smem:$0x3FBA] =	sst s10  }
0x38: {  	s10 =	sld [smem:$0x3FBB]  }
0x39: {  	_ = 	snop;
	(pc) =	sbr.ind lr, $3  }
0x3a: {  	_ = 	snop  }
0x3b: {  	_ = 	snop  }
0x3c: {  	p2 =	seq.s32 s10, $0x1;
	s10 =	sld [smem:$0x3FBA]  }
0x3d: {  	_ =	shalt  }
0x3e: {  	_ =	shalt  }
0x3f: {  	_ =	shalt  }
0x40: {  	_ =	shalt  }
0x41: {  	_ =	shalt  }
0x42: {  	_ =	shalt  }
0x43: {  	_ =	shalt  }
0x44: {  	_ =	shalt  }
0x45: {  	_ =	shalt  }
0x46: {  	_ =	shalt  }
0x47: {  	_ =	shalt  }
0x48: {  	_ =	shalt  }
0x49: {  	_ =	shalt  }
0x4a: {  	_ =	shalt  }
0x4b: {  	_ =	shalt  }
0x4c: {  	_ =	shalt  }
0x4d: {  	_ =	shalt  }
0x4e: {  	_ =	shalt  }
0x4f: {  	_ =	shalt  }
0x50: {  	_ =	shalt  }
0x51: {  	_ =	shalt  }
0x52: {  	_ =	shalt  }
0x53: {  	_ =	shalt  }
0x54: {  	_ =	shalt  }
0x55: {  	_ =	shalt  }
0x56: {  	_ =	shalt  }
0x57: {  	_ =	shalt  }
0x58: {  	_ =	shalt  }
0x59: {  	_ =	shalt  }
0x5a: {  	_ =	shalt  }
0x5b: {  	_ =	shalt  }
0x5c: {  	_ =	shalt  }
0x5d: {  	_ =	shalt  }
0x5e: {  	_ =	shalt  }
0x5f: {  	_ =	shalt  }
0x60: {  	_ =	shalt  }
0x61: {  	_ =	shalt  }
0x62: {  	_ =	shalt  }
0x63: {  	_ =	shalt  }
0x64: {  	_ =	shalt  }
0x65: {  	_ =	shalt  }
0x66: {  	_ =	shalt  }
0x67: {  	_ =	shalt  }
0x68: {  	_ =	shalt  }
0x69: {  	_ =	shalt  }
0x6a: {  	_ =	shalt  }
0x6b: {  	_ =	shalt  }
0x6c: {  	_ =	shalt  }
0x6d: {  	_ =	shalt  }
0x6e: {  	_ =	shalt  }
0x6f: {  	_ =	shalt  }
0x70: {  	_ =	shalt  }
0x71: {  	_ =	shalt  }
0x72: {  	_ =	shalt  }
0x73: {  	_ =	shalt  }
0x74: {  	_ =	shalt  }
0x75: {  	_ =	shalt  }
0x76: {  	_ =	shalt  }
0x77: {  	_ =	shalt  }
0x78: {  	_ =	shalt  }
0x79: {  	_ =	shalt  }
0x7a: {  	_ =	shalt  }
0x7b: {  	_ =	shalt  }
0x7c: {  	_ =	shalt  }
0x7d: {  	_ =	shalt  }
0x7e: {  	_ =	shalt  }
0x7f: {  	_ =	shalt  }
0x80: {  	_ =	shalt  }
0x81: {  	_ =	shalt  }
0x82: {  	_ =	shalt  }
0x83: {  	_ =	shalt  }
0x84: {  	_ =	shalt  }
0x85: {  	_ =	shalt  }
0x86: {  	_ =	shalt  }
0x87: {  	_ =	shalt  }
.Lfunc_end0:
.L_simem_size_0:
called_computation_lowered:
.L_overlay_start_0:
0x88: {  	s2 =	sld [smem:$0x3FD9]  }
0x89: {  	s3 =	sld [smem:$0x3FFE];
	_ =	sdelay $0x1  }
0x8a: {  	s1 =	srdreg.scid  }
0x8b: {  	s0 =	sand.u32 $0x1, s1  }
0x8c: {  	s15 =	sshll.u32 s0, $0xA;
	s2 =	sadd.s32 s3, s2  }
0x8d: {  	s2 =	sadd.s32 s2, s15  }
0x8e: {  	[smem:$0x3FC6] =	sst s2  }
0x8f: {  	_ = 	snop  }
0x90: {  	s2 =	sld [smem:$0x3FD0];
	_ =	sdelay $0x2  }
0x91: {  	s4 =	simm.s32 $0xA;
	s5 =	simm.s32 $0x10;
	s16 =	sld [smem:$0x3FC9]  }
0x92: {  	[smem:s5], [sflag:s4] =	dma.local [hbm:s2], $0x1  }
0x93: {  	_ =	swait.eq [sflag:s4], $0x1  }
0x94: {  	[sflag:s4] =	ssyncset.done $0x0  }
0x95: {  	[sflag:s4] =	ssyncadd.s32 $0xFFFFFFFF  }
0x96: {  	s17 =	sld [smem:$0x10];
	(tm) =	ssettm $0x1  }
0x97: {  	s18 =	sld [smem:$0x3FFB];
	_ =	sdelay $0x3  }
0x98: {  	_ =	strace s18  }
0x99: {  	s4 =	sld [smem:$0x3FFC];
	_ =	sdelay $0x3  }
0x9a: {  	_ =	strace s4  }
0x9b: {  	s4 =	sld [smem:$0x3FFD];
	_ =	sdelay $0x3  }
0x9c: {  	_ =	strace s4  }
0x9d: {  	_ =	strace $0x8FFFFFFF  }
0x9e: {  	s19 =	sld [smem:$0x3FDB];
	_ =	sdelay $0x1  }
0x9f: {  	s20 =	simm.s32 $_scs_section_size  }
0xa0: {  	s6 =	simm.s32 $_size__tile_overlayer_lowered;
	s7 =	simm.s32 $_tile_overlayer_lowered  }
0xa1: {  	s23 =	simm.s32 $0x1BFF;
	s22 =	sshll.u32 s7, $0x1;
	s4 =	sadd.s32 s20, s19  }
0xa2: {  	s8 =	simm.s32 $0x0;
	s21 =	sshll.u32 s6, $0x1;
	s6 =	sadd.s32 s22, s4  }
0xa3: {  	[timem:s8], [sflag:s23] =	dma.local [hbm:s6], s21  }
0xa4: {  	_ =	swait.ge [sflag:s23], s21  }
0xa5: {  	s5 =	ssub.s32 $0x0, s21;
	[sflag:s23] =	ssyncset.done $0x0  }
0xa6: {  	[sflag:s23] =	ssyncadd.s32 s5;
	_ =	sdelay $0x1  }
0xa7: {  	s24 =	simm.s32 $0x1B8B  }
0xa8: {  	_ =	swait.ge [sflag:s24], $0x1  }
0xa9: {  	[sflag:s24] =	ssyncset.done $0x0  }
0xaa: {  	s25 =	simm.s32 $0x1B8E;
	[sflag:s24] =	ssyncadd.s32 $0xFFFFFFFF  }
0xab: {  	s26 =	simm.s32 $execute0_lowered;
	[smem:$0x3FD2] =	sst s25  }
0xac: {  	s5 =	sshll.u32 s26, $0x1;
	_ =	strace $0x80000046;
	[dreg:$0x1] =	wrdreg $0xFFFFFFFF  }
0xad: {  	s28 =	simm.s32 $_size_execute0_lowered;
	s4 =	sadd.s32 s4, s5;
	[dreg:$0x0] =	wrdreg $0x0  }
0xae: {  	s5 =	sshll.u32 s28, $0x1;
	[dreg:$0x2] =	wrdreg s4  }
0xaf: {  	[dreg:$0x3] =	wrdreg s5  }
0xb0: {  	[dreg:$0x4] =	wrdreg $0xC0  }
0xb1: {  	_ =	task [dreg:s8], $0x5FFFF  }
0xb2: {  	[dreg:$0x1] =	wrdreg $0xFFFFFFFF  }
0xb3: {  	[dreg:$0x0] =	wrdreg $0x60  }
0xb4: {  	[dreg:$0x2] =	wrdreg s16  }
0xb5: {  	[dreg:$0x3] =	wrdreg s17  }
0xb6: {  	[dreg:$0x4] =	wrdreg $0x9  }
0xb7: {  	_ =	task.clear_ibuf [dreg:s8], $0x5FFFF;
	_ =	strace $0x90000046  }
0xb8: {  	s29 =	simm.s32 $0x9;
	_ =	strace $0x80000048  }
0xb9: {  	_ =	swait.ge [sflag:s29], $0x1  }
0xba: {  	[sflag:s29] =	ssyncadd.s32 $0xFFFFFFFF  }
0xbb: {  	_ =	strace $0x90000048  }
0xbc: {  	_ =	sfence  }
0xbd: {  	s30 =	sld [smem:$0x0];
	_ =	sdelay $0x2  }
0xbe: {  	s31 =	sshll.u32 s1, $0xD;
	s1 =	sshrl.u32 s1, $0x2  }
0xbf: {  	s3 =	sand.u32 $0x4000, s31;
	s1 =	sadd.s32 s1, s30  }
0xc0: {  	s0 =	sor.u32 s3, s0;
	s1 =	sshll.u32 s1, $0x11  }
0xc1: {  	s0 =	sor.u32 s1, s0  }
0xc2: {  	s0 =	sadd.s32 $0x8F2B, s0  }
0xc3: {  	[sflag:s0] =	ssyncadd.remote.s32 $0x1  }
0xc4: {  	_ =	sfence.sel $0xFFFF  }
0xc5: {  	[dreg:$0x0] =	wrdreg $0xFFFFFFFF;
	(pc) =	sbr.abs _section_cstart, $3  }
0xc6: {  	[dreg:$0x1] =	wrdreg $0xFFFFFFFF  }
0xc7: {  	_ =	task.clear_ibuf [dreg:s8], $0x2FFFF;
	_ =	strace $0x9FFFFFFF  }
0xc8: {  	(tm) =	ssettm $0x7FFFFFFF  }
0xc9: {  	_ =	shalt  }
tec
execute0_lowered:
.L_overlay_start_1:
0x0: {  	(tag) =	ssettag $0x1  }
0x1: {  	s1 =	srdreg.scid;
	s0 =	stileid.u32  }
0x2: {  	s5 =	sand.u32 $0x1, s1;
	s6 =	sshll.u32 s0, $0x1  }
0x3: {  	s6 =	sor.u32 s5, s6  }
0x4: {  	p0 =	sgt.u32 s6, $0x18  }
.Ltmp0:
0x5: {  	_ = 	snop;
	(pc) =	sbr.rel @p0 .LBB2_6-.Ltmp0, $4  }
0x6: {  	s2 =	rddreg [dreg:$0x0]  }
0x7: {  	s3 =	rddreg [dreg:$0x1];
	s4 =	simm.s32 $0x0  }
0x8: {  	[smem:$0x7FF] =	sst s4  }
0x9: {  	s1 =	rddreg [dreg:$0x2];
	_ =	strace $0x80000047  }
0xa: {  	s6 =	smul.u32 $0xFA00, s6  }
0xb: {  	s8 =	smul.u32 $0x7D000, s0  }
.Ltmp1:
0xc: {  	s7 =	ssub.s32 $0x2, s5;
	(pc) =	sbr.rel .LBB2_2-.Ltmp1, $4  }
0xd: {  	s10 =	smul.u32 $0x3E800, s5;
	s9 =	sshrl.u32 s7, $0x1  }
0xe: {  	s7 =	ssub.s32 s7, s9  }
0xf: {  	s5 =	sadd.s32 s2, s6;
	s31 =	sadd.s32 s10, s8;
	s8 =	simm.s32 $0x4  }
0x10: {  	s9 =	simm.s32 $0x0;
	s6 =	smax.u32 s7, $0x1;
	s7 =	sadd.s32 $0x7D00, s31  }
.LBB2_5:
0x11: {  	s9 =	sadd.s32 $0x1, s9  }
0x12: {  	p0 =	sne.s32 s9, s6  }
.Ltmp2:
0x13: {  	_ = 	snop;
	(pc) =	sbr.rel @!p0 .LBB2_6-.Ltmp2, $4  }
0x14: {  	_ = 	snop  }
0x15: {  	_ =	swait.ge [sflag:s8], $0xFA00  }
0x16: {  	[sflag:s8] =	ssyncset.done $0x0  }
0x17: {  	[sflag:s8] =	ssyncadd.s32 $0xFFFF0600  }
.LBB2_2:
0x18: {  	s10 =	simm.s32 $0x0;
	s11 =	smov.u32 s7  }
0x19: {  	[tilespmem:s10], [sflag:$0x1] =	stream.linear.gather [hbm4b:s5+s10], $0xFA00, $0x38;
	[tilespmem:$0x1F400] =	vst v63  }
.LBB2_3:
0x1a: {  	s12 =	sand.u32 $0x1, s10;
	s15 =	sadd.s32 $0xFFFF8300, s11  }
0x1b: {  	p0 =	seq.s32 s10, $0x0;
	s13 =	sadd.s32 $0x1, s12;
	s14 =	smul.u32 $0x3E800, s12  }
0x1c: {  	s30 =	sshrl.u32 s15, $0x2;
	s31 =	sadd.s32 $0x3, s12;
	s12 =	sxor.u32 @!p0 $0x1, s12  }
0x1d: {  	p1 =	seq.s32 @!p0 s10, $0x7;
	_ =	swait.ge [sflag:s13], $0xFA00;
	s12 =	sadd.s32 @!p0 $0x3, s12  }
0x1e: {  	p1 =	por p0, !p1;
	[sflag:s13] =	ssyncset.done $0x0;
	s14 =	sshrl.u32 s14, $0x2  }
.Ltmp3:
0x1f: {  	[sflag:s13] =	ssyncadd.s32 $0xFFFF0600;
	s13 =	sadd.s32 s3, s30;
	(pc) =	sbr.rel @!p1 .LBB2_5-.Ltmp3, $4  }
0x20: {  	[hbm4b:s13+s4] =	stream.linear.scatter [tilespmem:s14], [sflag:s31], $0xFA00, $0x38;
	[tilespmem:$0x1F400] =	vst v63  }
0x21: {  	_ =	swait.ge @!p0 [sflag:s12], $0xFA00  }
0x22: {  	[sflag:s12] =	ssyncset.done @!p0 $0x0  }
0x23: {  	[sflag:s12] =	ssyncadd.s32 @!p0 $0xFFFF0600  }
0x24: {  	s10 =	sadd.s32 $0x1, s10  }
.Ltmp4:
0x25: {  	s12 =	sand.u32 $0x1, s10;
	(pc) =	sbr.rel .LBB2_3-.Ltmp4, $4  }
0x26: {  	s13 =	smul.u32 $0x3E800, s12  }
0x27: {  	s14 =	sshrl.u32 s11, $0x2;
	s11 =	sadd.s32 $0x7D00, s11  }
0x28: {  	s14 =	sadd.s32 s2, s14;
	s12 =	sadd.s32 $0x1, s12;
	s13 =	sshrl.u32 s13, $0x2  }
0x29: {  	[tilespmem:s13], [sflag:s12] =	stream.linear.gather [hbm4b:s14+s4], $0xFA00, $0x38;
	[tilespmem:$0x1F400] =	vst v63  }
.LBB2_6:
0x2a: {  	_ =	sfence.sel $0x180000  }
0x2b: {  	[bflag:$0x0] =	sbarrier.arrive $0xFFFF  }
0x2c: {  	p0 =	sne.s32 s0, $0x0;
	_ =	strace $0x90000047  }
0x2d: {  	s0 =	sadd.s32 @!p0 $0x100000, s1;
	[bflag:$0x2] =	sbarrier.arrive $0xFFFF  }
0x2e: {  	[sflag:s0] =	ssyncadd.tile.s32 @!p0 $0x1;
	_ =	shalt  }
.Lfunc_end2:
_tile_overlayer_lowered:
.L_overlay_start_2:
0x2f: {  	(tag) =	ssettag $0x2  }
0x30: {  	s0 =	rddreg [dreg:$0x0];
	s2 =	stileid.u32  }
0x31: {  	s1 =	rddreg [dreg:$0x1];
	p0 =	sne.s32 s2, $0x0  }
0x32: {  	s3 =	rddreg [dreg:$0x2];
	[bflag:$0x3] =	sbarrier.arrive $0xFFFF;
	s2 =	simm.s32 @!p0 $0x1C05  }
0x33: {  	[timem:s3], [sflag:s2] =	dma.local @!p0 [hbm:s0], s1  }
0x34: {  	s0 =	simm.s32 @!p0 $0x5  }
0x35: {  	_ =	swait.ge @!p0 [sflag:s0], s1  }
0x36: {  	s1 =	ssub.s32 @!p0 $0x0, s1;
	[sflag:s0] =	ssyncset.done @!p0 $0x0  }
0x37: {  	[sflag:s0] =	ssyncadd.s32 @!p0 s1  }
0x38: {  	[bflag:$0x3] =	sbarrier.arrive $0xFFFF  }
0x39: {  	_ =	shalt  }

</sc_bundles>
